<compile_context>
chip_gen: v7x
topology: tpu7x:2x2x1
jax: 0.10.2.dev20260603
libtpu: 0.0.44.dev20260713+nightly
codegen_flags: <defaults>
</compile_context>

<pallas_src>
import functools

import jax
import jax.numpy as jnp
from jax import lax
from jax.experimental import pallas as pl
from jax.experimental.pallas import tpu as pltpu
from jax.experimental.pallas import tpu_sc as plsc

N_NODES = 10000
N_EDGES = 320000
D_FEAT = 128
D_EMB = 128
D_TARGET = 32
N_GRAPHS = 64

NC = 2
NS = 16
NW = NC * NS
E_PER_W = N_EDGES // NW
K = 128
NCHUNK = -(-E_PER_W // K)
E_PAD = NCHUNK * K - E_PER_W
N_ACC = N_NODES + 8
ROWS_PER_S = 624
TAIL_BASE = ROWS_PER_S * NS
TAIL_ROWS = N_ACC - TAIL_BASE


def _sc_body(x_h, src_h, dst_h, zer_h, zerd_h, one_h,
             agg_o, deg_o,
             idx_s, idx_d, rows, ones_v, agg_sh, deg_sh, sem):
    cid = lax.axis_index("c")
    sid = lax.axis_index("s")
    wid = cid * NS + sid

    pltpu.sync_copy(zer_h.at[pl.ds(sid * ROWS_PER_S, ROWS_PER_S)],
                    agg_sh.at[pl.ds(sid * ROWS_PER_S, ROWS_PER_S)])

    @pl.when(sid == NS - 1)
    def _zero_tail():
        pltpu.sync_copy(zer_h.at[pl.ds(TAIL_BASE, TAIL_ROWS)],
                        agg_sh.at[pl.ds(TAIL_BASE, TAIL_ROWS)])

    @pl.when(sid == 0)
    def _zero_deg():
        pltpu.sync_copy(zerd_h, deg_sh)

    pltpu.sync_copy(src_h.at[wid], idx_s)
    pltpu.sync_copy(dst_h.at[wid], idx_d)
    pltpu.sync_copy(one_h, ones_v)
    plsc.subcore_barrier()

    def chunk(j, carry):
        pltpu.async_copy(x_h.at[idx_s.at[j]], rows, sem).wait()
        pltpu.sync_copy(rows, agg_sh.at[idx_d.at[j]], add=True)
        pltpu.sync_copy(ones_v, deg_sh.at[idx_d.at[j]], add=True)
        return carry

    lax.fori_loop(0, NCHUNK, chunk, 0)
    plsc.subcore_barrier()

    pltpu.sync_copy(agg_sh.at[pl.ds(sid * ROWS_PER_S, ROWS_PER_S)],
                    agg_o.at[cid, pl.ds(sid * ROWS_PER_S, ROWS_PER_S)])

    @pl.when(sid == NS - 1)
    def _out_tail():
        pltpu.sync_copy(agg_sh.at[pl.ds(TAIL_BASE, TAIL_ROWS)],
                        agg_o.at[cid, pl.ds(TAIL_BASE, TAIL_ROWS)])

    @pl.when(sid == 0)
    def _out_deg():
        pltpu.sync_copy(deg_sh, deg_o.at[cid, 0])


_sc_agg = functools.partial(
    pl.kernel,
    out_type=(
        jax.ShapeDtypeStruct((NC, N_ACC, D_FEAT), jnp.float32),
        jax.ShapeDtypeStruct((NC, 1, N_ACC), jnp.float32),
    ),
    mesh=plsc.VectorSubcoreMesh(core_axis_name="c", subcore_axis_name="s"),
    scratch_types=[
        pltpu.VMEM((NCHUNK, K), jnp.int32),
        pltpu.VMEM((NCHUNK, K), jnp.int32),
        pltpu.VMEM((K, D_FEAT), jnp.float32),
        pltpu.VMEM((K,), jnp.float32),
        pltpu.VMEM_SHARED((N_ACC, D_FEAT), jnp.float32),
        pltpu.VMEM_SHARED((N_ACC,), jnp.float32),
        pltpu.SemaphoreType.DMA,
    ],
)(_sc_body)


def _xr_body(x_ref, wr_ref, bl_ref, xr_ref):
    xr_ref[...] = (lax.dot_general(x_ref[...], wr_ref[...],
                                   (((1,), (1,)), ((), ())),
                                   preferred_element_type=jnp.float32)
                   + bl_ref[...])


def _tc_body(agg_ref, d0_ref, d1_ref, xr_ref, batch_ref, wl_ref,
             wro_ref, bro_ref, out_ref, emb_ref):
    agg = agg_ref[0, :N_NODES, :] + agg_ref[1, :N_NODES, :]
    deg = d0_ref[...] + d1_ref[...]
    mean = agg / jnp.maximum(deg, 1.0)
    f32 = jnp.float32
    emb = (lax.dot_general(mean, wl_ref[...], (((1,), (1,)), ((), ())),
                           preferred_element_type=f32)
           + xr_ref[...])
    emb_ref[...] = emb
    gids = lax.broadcasted_iota(jnp.int32, (N_GRAPHS, N_NODES), 0)
    onehot = (gids == batch_ref[...]).astype(f32)
    psum = lax.dot_general(onehot, emb, (((1,), (0,)), ((), ())),
                           preferred_element_type=f32)
    cnt = jnp.sum(onehot, axis=1, keepdims=True)
    pooled = psum / jnp.maximum(cnt, 1.0)
    out_ref[...] = (lax.dot_general(pooled, wro_ref[...], (((1,), (1,)), ((), ())),
                                    preferred_element_type=f32)
                    + bro_ref[...])


def kernel(x, edge_index, batch, W_l, b_l, W_r, W_ro, b_ro):
    src_w = edge_index[0].reshape(NW, E_PER_W)
    dst_w = edge_index[1].reshape(NW, E_PER_W)
    src = jnp.concatenate(
        [src_w, jnp.zeros((NW, E_PAD), jnp.int32)], axis=1).reshape(NW, NCHUNK, K)
    dst = jnp.concatenate(
        [dst_w, jnp.full((NW, E_PAD), N_NODES, jnp.int32)], axis=1).reshape(NW, NCHUNK, K)
    zeros2d = jnp.zeros((N_ACC, D_FEAT), jnp.float32)
    zerosd = jnp.zeros((N_ACC,), jnp.float32)
    ones_k = jnp.ones((K,), jnp.float32)

    xr = pl.pallas_call(
        _xr_body,
        out_shape=jax.ShapeDtypeStruct((N_NODES, D_EMB), jnp.float32),
    )(x, W_r, b_l.reshape(1, D_EMB))

    agg2, deg2 = _sc_agg(x, src, dst, zeros2d, zerosd, ones_k)
    d0 = deg2[0, 0, :N_NODES].reshape(N_NODES, 1)
    d1 = deg2[1, 0, :N_NODES].reshape(N_NODES, 1)

    out, emb = pl.pallas_call(
        _tc_body,
        out_shape=(
            jax.ShapeDtypeStruct((N_GRAPHS, D_TARGET), jnp.float32),
            jax.ShapeDtypeStruct((N_NODES, D_EMB), jnp.float32),
        ),
    )(agg2, d0, d1, xr, batch.reshape(1, N_NODES),
      W_l, W_ro, b_ro.reshape(1, D_TARGET))
    return (out, emb)

# --- scband reference (transcript-rebuilt; emitter-appended) ---
"""Pipeline reference for scband-dummy-conv-dgn-90726889161560 (READ-ONLY COPY).

The authoritative reference and input builder live on the scoring server;
editing this copy changes nothing except your own understanding.
"""

import jax, jax.numpy as jnp
import numpy as np

N_NODES = 10000
N_EDGES = 320000
D_FEAT = 128
D_EMB = 128
D_TARGET = 32
N_GRAPHS = 64


def setup_inputs(seed: int = 0) -> dict:
    key = jax.random.key(seed)
    ks = jax.random.split(key, 8)
    x = jax.random.normal(ks[0], (N_NODES, D_FEAT), dtype=jnp.float32)
    edge_index = jax.random.randint(ks[1], (2, N_EDGES), 0, N_NODES, dtype=jnp.int32)
    batch = jnp.sort(jax.random.randint(ks[2], (N_NODES,), 0, N_GRAPHS, dtype=jnp.int32))
    # SAGEConv params: lin_l applied to aggregated neighbor mean (with bias),
    # lin_r applied to root node features (no bias) -- matches PyG SAGEConv defaults.
    W_l = jax.random.normal(ks[3], (D_EMB, D_FEAT), dtype=jnp.float32) * 0.05
    b_l = jnp.zeros((D_EMB,), dtype=jnp.float32)
    W_r = jax.random.normal(ks[4], (D_EMB, D_FEAT), dtype=jnp.float32) * 0.05
    # readout Linear params
    W_ro = jax.random.normal(ks[5], (D_TARGET, D_EMB), dtype=jnp.float32) * 0.05
    b_ro = jnp.zeros((D_TARGET,), dtype=jnp.float32)
    return {"x": x, "edge_index": edge_index, "batch": batch,
            "W_l": W_l, "b_l": b_l, "W_r": W_r, "W_ro": W_ro, "b_ro": b_ro}


def reference(x, edge_index, batch, W_l, b_l, W_r, W_ro, b_ro):
    N = x.shape[0]
    E = edge_index.shape[1]
    src = edge_index[0]
    dst = edge_index[1]
    # SAGEConv with mean aggregation: messages flow src -> dst
    msgs = jnp.take(x, src, axis=0)
    agg_sum = jax.ops.segment_sum(msgs, dst, num_segments=N)
    deg = jax.ops.segment_sum(jnp.ones((E,), dtype=x.dtype), dst, num_segments=N)
    agg_mean = agg_sum / jnp.clip(deg, 1.0)[:, None]
    node_emb = agg_mean @ W_l.T + b_l + x @ W_r.T
    # global_mean_pool over graph batch assignment
    pool_sum = jax.ops.segment_sum(node_emb, batch, num_segments=N_GRAPHS)
    pool_cnt = jax.ops.segment_sum(jnp.ones((N,), dtype=x.dtype), batch, num_segments=N_GRAPHS)
    pooled = pool_sum / jnp.clip(pool_cnt, 1.0)[:, None]
    out = pooled @ W_ro.T + b_ro
    return (out, node_emb)

if __name__ == "__main__":
    import jax
    _d = setup_inputs()
    print(jax.jit(kernel)(*tuple(_d.values())))

</pallas_src>

<mosaic_0001>
#map = affine_map<(d0, d1) -> (0, 0)>
#map1 = affine_map<(d0, d1) -> (0, 0, 0)>
#map2 = affine_map<(d0, d1) -> (0)>
module attributes {stable_mosaic.version = 14 : i64} {
  func.func @_sc_body(%arg0: i32, %arg1: i32, %arg2: memref<10000x128xf32, #tpu.memory_space<hbm>>, %arg3: memref<32x79x128xi32, #tpu.memory_space<hbm>>, %arg4: memref<32x79x128xi32, #tpu.memory_space<hbm>>, %arg5: memref<10008x128xf32, #tpu.memory_space<hbm>>, %arg6: memref<10008xf32, #tpu.memory_space<hbm>>, %arg7: memref<128xf32, #tpu.memory_space<hbm>>, %arg8: memref<2x10008x128xf32, #tpu.memory_space<hbm>>, %arg9: memref<2x1x10008xf32, #tpu.memory_space<hbm>>, %arg10: memref<79x128xi32, #tpu.memory_space<vmem>>, %arg11: memref<79x128xi32, #tpu.memory_space<vmem>>, %arg12: memref<128x128xf32, #tpu.memory_space<vmem>>, %arg13: memref<128xf32, #tpu.memory_space<vmem>>, %arg14: memref<10008x128xf32, #tpu.memory_space<vmem_shared>>, %arg15: memref<10008xf32, #tpu.memory_space<vmem_shared>>, %arg16: memref<!tpu.dma_semaphore, #tpu.memory_space<semaphore_mem>>) attributes {dimension_semantics = [#tpu.dimension_semantics<core_parallel>, #tpu.dimension_semantics<subcore_parallel>], iteration_bounds = array<i64: 2, 16>, scalar_prefetch = 0 : i64, scratch_operands = 7 : i64, tpu.core_type = #tpu.core_type<sc_vector_subcore>, window_params = [{transform_indices = #map}, {transform_indices = #map1}, {transform_indices = #map1}, {transform_indices = #map}, {transform_indices = #map2}, {transform_indices = #map2}, {transform_indices = #map1}, {transform_indices = #map1}]} {
    %mul3A = arith.constant 16 : i32
    %mul3A_0 = arith.muli %arg0, %mul3A : i32
    %add3A = arith.addi %mul3A_0, %arg1 : i32
    %mul3A_1 = arith.constant 624 : i32
    %mul3A_2 = arith.muli %arg1, %mul3A_1 : i32
    %mul3A_3 = arith.constant 624 : i32
    %mul3A_4 = arith.muli %arg1, %mul3A_3 : i32
    "tpu.region"() ({
      %run_scoped3A = tpu.sem_alloc : memref<!tpu.dma_semaphore, #tpu.memory_space<semaphore_mem>>
      %dma_start3A = arith.constant 0 : i32
      %dma_start3A_32 = tpu.memref_slice %arg14[%mul3A_4, %dma_start3A] : memref<10008x128xf32, #tpu.memory_space<vmem_shared>> -> memref<624x128xf32, #tpu.memory_space<vmem_shared>>
      %dma_start3A_33 = arith.constant 0 : i32
      %dma_start3A_34 = tpu.memref_slice %arg5[%mul3A_2, %dma_start3A_33] : memref<10008x128xf32, #tpu.memory_space<hbm>> -> memref<624x128xf32, #tpu.memory_space<hbm>>
      tpu.enqueue_dma source(%dma_start3A_34 : memref<624x128xf32, #tpu.memory_space<hbm>>) target(%dma_start3A_32 : memref<624x128xf32, #tpu.memory_space<vmem_shared>>) target_semaphore(%run_scoped3A : memref<!tpu.dma_semaphore, #tpu.memory_space<semaphore_mem>>)
      %dma_wait3A = arith.constant 0 : i32
      %dma_wait3A_35 = tpu.memref_slice %arg14[%mul3A_4, %dma_wait3A] : memref<10008x128xf32, #tpu.memory_space<vmem_shared>> -> memref<624x128xf32, #tpu.memory_space<vmem_shared>>
      %dma_wait3A_36 = arith.constant 0 : i32
      %dma_wait3A_37 = tpu.memref_slice %arg5[%mul3A_2, %dma_wait3A_36] : memref<10008x128xf32, #tpu.memory_space<hbm>> -> memref<624x128xf32, #tpu.memory_space<hbm>>
      tpu.wait_dma2 semaphore(%run_scoped3A : memref<!tpu.dma_semaphore, #tpu.memory_space<semaphore_mem>>) src(%dma_wait3A_37 : memref<624x128xf32, #tpu.memory_space<hbm>>) dst(%dma_wait3A_35 : memref<624x128xf32, #tpu.memory_space<vmem_shared>>)
      tpu.yield
    }) : () -> ()
    %eq3A = arith.constant 15 : i32
    %eq3A_5 = arith.cmpi eq, %arg1, %eq3A : i32
    %convert_element_type3A = arith.extui %eq3A_5 : i1 to i32
    %cond3A = arith.constant 0 : i32
    %cond3A_6 = arith.cmpi ne, %convert_element_type3A, %cond3A : i32
    scf.if %cond3A_6 {
      "tpu.region"() ({
        %run_scoped3A = tpu.sem_alloc : memref<!tpu.dma_semaphore, #tpu.memory_space<semaphore_mem>>
        %dma_start3A = arith.constant 9984 : i32
        %dma_start3A_32 = arith.constant 0 : i32
        %dma_start3A_33 = tpu.memref_slice %arg14[%dma_start3A, %dma_start3A_32] : memref<10008x128xf32, #tpu.memory_space<vmem_shared>> -> memref<24x128xf32, #tpu.memory_space<vmem_shared>>
        %dma_start3A_34 = arith.constant 9984 : i32
        %dma_start3A_35 = arith.constant 0 : i32
        %dma_start3A_36 = tpu.memref_slice %arg5[%dma_start3A_34, %dma_start3A_35] : memref<10008x128xf32, #tpu.memory_space<hbm>> -> memref<24x128xf32, #tpu.memory_space<hbm>>
        tpu.enqueue_dma source(%dma_start3A_36 : memref<24x128xf32, #tpu.memory_space<hbm>>) target(%dma_start3A_33 : memref<24x128xf32, #tpu.memory_space<vmem_shared>>) target_semaphore(%run_scoped3A : memref<!tpu.dma_semaphore, #tpu.memory_space<semaphore_mem>>)
        %dma_wait3A = arith.constant 9984 : i32
        %dma_wait3A_37 = arith.constant 0 : i32
        %dma_wait3A_38 = tpu.memref_slice %arg14[%dma_wait3A, %dma_wait3A_37] : memref<10008x128xf32, #tpu.memory_space<vmem_shared>> -> memref<24x128xf32, #tpu.memory_space<vmem_shared>>
        %dma_wait3A_39 = arith.constant 9984 : i32
        %dma_wait3A_40 = arith.constant 0 : i32
        %dma_wait3A_41 = tpu.memref_slice %arg5[%dma_wait3A_39, %dma_wait3A_40] : memref<10008x128xf32, #tpu.memory_space<hbm>> -> memref<24x128xf32, #tpu.memory_space<hbm>>
        tpu.wait_dma2 semaphore(%run_scoped3A : memref<!tpu.dma_semaphore, #tpu.memory_space<semaphore_mem>>) src(%dma_wait3A_41 : memref<24x128xf32, #tpu.memory_space<hbm>>) dst(%dma_wait3A_38 : memref<24x128xf32, #tpu.memory_space<vmem_shared>>)
        tpu.yield
      }) : () -> ()
    } else {
    }
    %eq3A_7 = arith.constant 0 : i32
    %eq3A_8 = arith.cmpi eq, %arg1, %eq3A_7 : i32
    %convert_element_type3A_9 = arith.extui %eq3A_8 : i1 to i32
    %cond3A_10 = arith.constant 0 : i32
    %cond3A_11 = arith.cmpi ne, %convert_element_type3A_9, %cond3A_10 : i32
    scf.if %cond3A_11 {
      "tpu.region"() ({
        %run_scoped3A = tpu.sem_alloc : memref<!tpu.dma_semaphore, #tpu.memory_space<semaphore_mem>>
        tpu.enqueue_dma source(%arg6 : memref<10008xf32, #tpu.memory_space<hbm>>) target(%arg15 : memref<10008xf32, #tpu.memory_space<vmem_shared>>) target_semaphore(%run_scoped3A : memref<!tpu.dma_semaphore, #tpu.memory_space<semaphore_mem>>)
        tpu.wait_dma2 semaphore(%run_scoped3A : memref<!tpu.dma_semaphore, #tpu.memory_space<semaphore_mem>>) src(%arg6 : memref<10008xf32, #tpu.memory_space<hbm>>) dst(%arg15 : memref<10008xf32, #tpu.memory_space<vmem_shared>>)
        tpu.yield
      }) : () -> ()
    } else {
    }
    "tpu.region"() ({
      %run_scoped3A = tpu.sem_alloc : memref<!tpu.dma_semaphore, #tpu.memory_space<semaphore_mem>>
      %dma_start3A = arith.constant 0 : i32
      %dma_start3A_32 = arith.constant 0 : i32
      %dma_start3A_33 = tpu.memref_slice %arg3[%add3A, %dma_start3A, %dma_start3A_32] : memref<32x79x128xi32, #tpu.memory_space<hbm>> -> memref<1x79x128xi32, #tpu.memory_space<hbm>>
      %dma_start3A_34 = tpu.memref_squeeze %dma_start3A_33 : memref<1x79x128xi32, #tpu.memory_space<hbm>> -> memref<79x128xi32, #tpu.memory_space<hbm>>
      %dma_start3A_35 = arith.constant 0 : i32
      %dma_start3A_36 = arith.constant 0 : i32
      %dma_start3A_37 = tpu.memref_slice %arg3[%add3A, %dma_start3A_35, %dma_start3A_36] : memref<32x79x128xi32, #tpu.memory_space<hbm>> -> memref<1x79x128xi32, #tpu.memory_space<hbm>>
      %dma_start3A_38 = tpu.memref_squeeze %dma_start3A_37 : memref<1x79x128xi32, #tpu.memory_space<hbm>> -> memref<79x128xi32, #tpu.memory_space<hbm>>
      tpu.enqueue_dma source(%dma_start3A_38 : memref<79x128xi32, #tpu.memory_space<hbm>>) target(%arg10 : memref<79x128xi32, #tpu.memory_space<vmem>>) target_semaphore(%run_scoped3A : memref<!tpu.dma_semaphore, #tpu.memory_space<semaphore_mem>>)
      %dma_wait3A = arith.constant 0 : i32
      %dma_wait3A_39 = arith.constant 0 : i32
      %dma_wait3A_40 = tpu.memref_slice %arg3[%add3A, %dma_wait3A, %dma_wait3A_39] : memref<32x79x128xi32, #tpu.memory_space<hbm>> -> memref<1x79x128xi32, #tpu.memory_space<hbm>>
      %dma_wait3A_41 = tpu.memref_squeeze %dma_wait3A_40 : memref<1x79x128xi32, #tpu.memory_space<hbm>> -> memref<79x128xi32, #tpu.memory_space<hbm>>
      %dma_wait3A_42 = arith.constant 0 : i32
      %dma_wait3A_43 = arith.constant 0 : i32
      %dma_wait3A_44 = tpu.memref_slice %arg3[%add3A, %dma_wait3A_42, %dma_wait3A_43] : memref<32x79x128xi32, #tpu.memory_space<hbm>> -> memref<1x79x128xi32, #tpu.memory_space<hbm>>
      %dma_wait3A_45 = tpu.memref_squeeze %dma_wait3A_44 : memref<1x79x128xi32, #tpu.memory_space<hbm>> -> memref<79x128xi32, #tpu.memory_space<hbm>>
      tpu.wait_dma2 semaphore(%run_scoped3A : memref<!tpu.dma_semaphore, #tpu.memory_space<semaphore_mem>>) src(%dma_wait3A_45 : memref<79x128xi32, #tpu.memory_space<hbm>>) dst(%arg10 : memref<79x128xi32, #tpu.memory_space<vmem>>)
      tpu.yield
    }) : () -> ()
    "tpu.region"() ({
      %run_scoped3A = tpu.sem_alloc : memref<!tpu.dma_semaphore, #tpu.memory_space<semaphore_mem>>
      %dma_start3A = arith.constant 0 : i32
      %dma_start3A_32 = arith.constant 0 : i32
      %dma_start3A_33 = tpu.memref_slice %arg4[%add3A, %dma_start3A, %dma_start3A_32] : memref<32x79x128xi32, #tpu.memory_space<hbm>> -> memref<1x79x128xi32, #tpu.memory_space<hbm>>
      %dma_start3A_34 = tpu.memref_squeeze %dma_start3A_33 : memref<1x79x128xi32, #tpu.memory_space<hbm>> -> memref<79x128xi32, #tpu.memory_space<hbm>>
      %dma_start3A_35 = arith.constant 0 : i32
      %dma_start3A_36 = arith.constant 0 : i32
      %dma_start3A_37 = tpu.memref_slice %arg4[%add3A, %dma_start3A_35, %dma_start3A_36] : memref<32x79x128xi32, #tpu.memory_space<hbm>> -> memref<1x79x128xi32, #tpu.memory_space<hbm>>
      %dma_start3A_38 = tpu.memref_squeeze %dma_start3A_37 : memref<1x79x128xi32, #tpu.memory_space<hbm>> -> memref<79x128xi32, #tpu.memory_space<hbm>>
      tpu.enqueue_dma source(%dma_start3A_38 : memref<79x128xi32, #tpu.memory_space<hbm>>) target(%arg11 : memref<79x128xi32, #tpu.memory_space<vmem>>) target_semaphore(%run_scoped3A : memref<!tpu.dma_semaphore, #tpu.memory_space<semaphore_mem>>)
      %dma_wait3A = arith.constant 0 : i32
      %dma_wait3A_39 = arith.constant 0 : i32
      %dma_wait3A_40 = tpu.memref_slice %arg4[%add3A, %dma_wait3A, %dma_wait3A_39] : memref<32x79x128xi32, #tpu.memory_space<hbm>> -> memref<1x79x128xi32, #tpu.memory_space<hbm>>
      %dma_wait3A_41 = tpu.memref_squeeze %dma_wait3A_40 : memref<1x79x128xi32, #tpu.memory_space<hbm>> -> memref<79x128xi32, #tpu.memory_space<hbm>>
      %dma_wait3A_42 = arith.constant 0 : i32
      %dma_wait3A_43 = arith.constant 0 : i32
      %dma_wait3A_44 = tpu.memref_slice %arg4[%add3A, %dma_wait3A_42, %dma_wait3A_43] : memref<32x79x128xi32, #tpu.memory_space<hbm>> -> memref<1x79x128xi32, #tpu.memory_space<hbm>>
      %dma_wait3A_45 = tpu.memref_squeeze %dma_wait3A_44 : memref<1x79x128xi32, #tpu.memory_space<hbm>> -> memref<79x128xi32, #tpu.memory_space<hbm>>
      tpu.wait_dma2 semaphore(%run_scoped3A : memref<!tpu.dma_semaphore, #tpu.memory_space<semaphore_mem>>) src(%dma_wait3A_45 : memref<79x128xi32, #tpu.memory_space<hbm>>) dst(%arg11 : memref<79x128xi32, #tpu.memory_space<vmem>>)
      tpu.yield
    }) : () -> ()
    "tpu.region"() ({
      %run_scoped3A = tpu.sem_alloc : memref<!tpu.dma_semaphore, #tpu.memory_space<semaphore_mem>>
      tpu.enqueue_dma source(%arg7 : memref<128xf32, #tpu.memory_space<hbm>>) target(%arg13 : memref<128xf32, #tpu.memory_space<vmem>>) target_semaphore(%run_scoped3A : memref<!tpu.dma_semaphore, #tpu.memory_space<semaphore_mem>>)
      tpu.wait_dma2 semaphore(%run_scoped3A : memref<!tpu.dma_semaphore, #tpu.memory_space<semaphore_mem>>) src(%arg7 : memref<128xf32, #tpu.memory_space<hbm>>) dst(%arg13 : memref<128xf32, #tpu.memory_space<vmem>>)
      tpu.yield
    }) : () -> ()
    %barrier3A = arith.constant 0 : index
    tpu.barrier barrier_id(%barrier3A)
    %scan3A = arith.constant 0 : i32
    %scan3A_12 = arith.constant 0 : i32
    %scan3A_13 = arith.constant 79 : i32
    %scan3A_14 = arith.addi %scan3A_12, %scan3A_13 : i32
    %scan3A_15 = arith.constant 1 : i32
    scf.for %scan3A_32 = %scan3A_12 to %scan3A_14 step %scan3A_15  : i32 {
      %dma_start3A = arith.constant 0 : i32
      %dma_start3A_33 = tpu.memref_slice %arg10[%scan3A_32, %dma_start3A] : memref<79x128xi32, #tpu.memory_space<vmem>> -> memref<1x128xi32, #tpu.memory_space<vmem>>
      %dma_start3A_34 = tpu.memref_squeeze %dma_start3A_33 : memref<1x128xi32, #tpu.memory_space<vmem>> -> memref<128xi32, #tpu.memory_space<vmem>>
      %dma_start3A_35 = arith.constant 0 : i32
      %dma_start3A_36 = arith.constant 0 : i32
      %dma_start3A_37 = tpu.memref_slice %arg2[%dma_start3A_35, %dma_start3A_36] : memref<10000x128xf32, #tpu.memory_space<hbm>> -> memref<10000x128xf32, #tpu.memory_space<hbm>>
      tpu.enqueue_indirect_dma source(%dma_start3A_37 : memref<10000x128xf32, #tpu.memory_space<hbm>>) target(%arg12 : memref<128x128xf32, #tpu.memory_space<vmem>>) offsets(%dma_start3A_34 : memref<128xi32, #tpu.memory_space<vmem>>) semaphore(%arg16 : memref<!tpu.dma_semaphore, #tpu.memory_space<semaphore_mem>>)
      %dma_wait3A = arith.constant 0 : i32
      %dma_wait3A_38 = tpu.memref_slice %arg10[%scan3A_32, %dma_wait3A] : memref<79x128xi32, #tpu.memory_space<vmem>> -> memref<1x128xi32, #tpu.memory_space<vmem>>
      %dma_wait3A_39 = tpu.memref_squeeze %dma_wait3A_38 : memref<1x128xi32, #tpu.memory_space<vmem>> -> memref<128xi32, #tpu.memory_space<vmem>>
      %dma_wait3A_40 = arith.constant 0 : i32
      %dma_wait3A_41 = arith.constant 0 : i32
      %dma_wait3A_42 = tpu.memref_slice %arg2[%dma_wait3A_40, %dma_wait3A_41] : memref<10000x128xf32, #tpu.memory_space<hbm>> -> memref<10000x128xf32, #tpu.memory_space<hbm>>
      tpu.wait_indirect_dma semaphore(%arg16 : memref<!tpu.dma_semaphore, #tpu.memory_space<semaphore_mem>>) src(%dma_wait3A_42 : memref<10000x128xf32, #tpu.memory_space<hbm>>) dst(%arg12 : memref<128x128xf32, #tpu.memory_space<vmem>>)
      "tpu.region"() ({
        %run_scoped3A = tpu.sem_alloc : memref<!tpu.dma_semaphore, #tpu.memory_space<semaphore_mem>>
        %dma_start3A_43 = arith.constant 0 : i32
        %dma_start3A_44 = tpu.memref_slice %arg11[%scan3A_32, %dma_start3A_43] : memref<79x128xi32, #tpu.memory_space<vmem>> -> memref<1x128xi32, #tpu.memory_space<vmem>>
        %dma_start3A_45 = tpu.memref_squeeze %dma_start3A_44 : memref<1x128xi32, #tpu.memory_space<vmem>> -> memref<128xi32, #tpu.memory_space<vmem>>
        %dma_start3A_46 = arith.constant 0 : i32
        %dma_start3A_47 = arith.constant 0 : i32
        %dma_start3A_48 = tpu.memref_slice %arg14[%dma_start3A_46, %dma_start3A_47] : memref<10008x128xf32, #tpu.memory_space<vmem_shared>> -> memref<10008x128xf32, #tpu.memory_space<vmem_shared>>
        tpu.enqueue_indirect_dma source(%arg12 : memref<128x128xf32, #tpu.memory_space<vmem>>) target(%dma_start3A_48 : memref<10008x128xf32, #tpu.memory_space<vmem_shared>>) offsets(%dma_start3A_45 : memref<128xi32, #tpu.memory_space<vmem>>) semaphore(%run_scoped3A : memref<!tpu.dma_semaphore, #tpu.memory_space<semaphore_mem>>) {add = true}
        %dma_wait3A_49 = arith.constant 0 : i32
        %dma_wait3A_50 = tpu.memref_slice %arg11[%scan3A_32, %dma_wait3A_49] : memref<79x128xi32, #tpu.memory_space<vmem>> -> memref<1x128xi32, #tpu.memory_space<vmem>>
        %dma_wait3A_51 = tpu.memref_squeeze %dma_wait3A_50 : memref<1x128xi32, #tpu.memory_space<vmem>> -> memref<128xi32, #tpu.memory_space<vmem>>
        %dma_wait3A_52 = arith.constant 0 : i32
        %dma_wait3A_53 = arith.constant 0 : i32
        %dma_wait3A_54 = tpu.memref_slice %arg14[%dma_wait3A_52, %dma_wait3A_53] : memref<10008x128xf32, #tpu.memory_space<vmem_shared>> -> memref<10008x128xf32, #tpu.memory_space<vmem_shared>>
        tpu.wait_indirect_dma semaphore(%run_scoped3A : memref<!tpu.dma_semaphore, #tpu.memory_space<semaphore_mem>>) src(%arg12 : memref<128x128xf32, #tpu.memory_space<vmem>>) dst(%dma_wait3A_54 : memref<10008x128xf32, #tpu.memory_space<vmem_shared>>)
        tpu.yield
      }) : () -> ()
      "tpu.region"() ({
        %run_scoped3A = tpu.sem_alloc : memref<!tpu.dma_semaphore, #tpu.memory_space<semaphore_mem>>
        %dma_start3A_43 = arith.constant 0 : i32
        %dma_start3A_44 = tpu.memref_slice %arg11[%scan3A_32, %dma_start3A_43] : memref<79x128xi32, #tpu.memory_space<vmem>> -> memref<1x128xi32, #tpu.memory_space<vmem>>
        %dma_start3A_45 = tpu.memref_squeeze %dma_start3A_44 : memref<1x128xi32, #tpu.memory_space<vmem>> -> memref<128xi32, #tpu.memory_space<vmem>>
        %dma_start3A_46 = arith.constant 0 : i32
        %dma_start3A_47 = tpu.memref_slice %arg15[%dma_start3A_46] : memref<10008xf32, #tpu.memory_space<vmem_shared>> -> memref<10008xf32, #tpu.memory_space<vmem_shared>>
        tpu.enqueue_indirect_dma source(%arg13 : memref<128xf32, #tpu.memory_space<vmem>>) target(%dma_start3A_47 : memref<10008xf32, #tpu.memory_space<vmem_shared>>) offsets(%dma_start3A_45 : memref<128xi32, #tpu.memory_space<vmem>>) semaphore(%run_scoped3A : memref<!tpu.dma_semaphore, #tpu.memory_space<semaphore_mem>>) {add = true}
        %dma_wait3A_48 = arith.constant 0 : i32
        %dma_wait3A_49 = tpu.memref_slice %arg11[%scan3A_32, %dma_wait3A_48] : memref<79x128xi32, #tpu.memory_space<vmem>> -> memref<1x128xi32, #tpu.memory_space<vmem>>
        %dma_wait3A_50 = tpu.memref_squeeze %dma_wait3A_49 : memref<1x128xi32, #tpu.memory_space<vmem>> -> memref<128xi32, #tpu.memory_space<vmem>>
        %dma_wait3A_51 = arith.constant 0 : i32
        %dma_wait3A_52 = tpu.memref_slice %arg15[%dma_wait3A_51] : memref<10008xf32, #tpu.memory_space<vmem_shared>> -> memref<10008xf32, #tpu.memory_space<vmem_shared>>
        tpu.wait_indirect_dma semaphore(%run_scoped3A : memref<!tpu.dma_semaphore, #tpu.memory_space<semaphore_mem>>) src(%arg13 : memref<128xf32, #tpu.memory_space<vmem>>) dst(%dma_wait3A_52 : memref<10008xf32, #tpu.memory_space<vmem_shared>>)
        tpu.yield
      }) : () -> ()
    }
    %scan3A_16 = arith.constant 79 : i32
    %barrier3A_17 = arith.constant 0 : index
    tpu.barrier barrier_id(%barrier3A_17)
    %mul3A_18 = arith.constant 624 : i32
    %mul3A_19 = arith.muli %arg1, %mul3A_18 : i32
    %mul3A_20 = arith.constant 624 : i32
    %mul3A_21 = arith.muli %arg1, %mul3A_20 : i32
    "tpu.region"() ({
      %run_scoped3A = tpu.sem_alloc : memref<!tpu.dma_semaphore, #tpu.memory_space<semaphore_mem>>
      %dma_start3A = arith.constant 0 : i32
      %dma_start3A_32 = tpu.memref_slice %arg8[%arg0, %mul3A_21, %dma_start3A] : memref<2x10008x128xf32, #tpu.memory_space<hbm>> -> memref<1x624x128xf32, #tpu.memory_space<hbm>>
      %dma_start3A_33 = tpu.memref_squeeze %dma_start3A_32 : memref<1x624x128xf32, #tpu.memory_space<hbm>> -> memref<624x128xf32, #tpu.memory_space<hbm>>
      %dma_start3A_34 = arith.constant 0 : i32
      %dma_start3A_35 = tpu.memref_slice %arg14[%mul3A_19, %dma_start3A_34] : memref<10008x128xf32, #tpu.memory_space<vmem_shared>> -> memref<624x128xf32, #tpu.memory_space<vmem_shared>>
      tpu.enqueue_dma source(%dma_start3A_35 : memref<624x128xf32, #tpu.memory_space<vmem_shared>>) target(%dma_start3A_33 : memref<624x128xf32, #tpu.memory_space<hbm>>) target_semaphore(%run_scoped3A : memref<!tpu.dma_semaphore, #tpu.memory_space<semaphore_mem>>)
      %dma_wait3A = arith.constant 0 : i32
      %dma_wait3A_36 = tpu.memref_slice %arg8[%arg0, %mul3A_21, %dma_wait3A] : memref<2x10008x128xf32, #tpu.memory_space<hbm>> -> memref<1x624x128xf32, #tpu.memory_space<hbm>>
      %dma_wait3A_37 = tpu.memref_squeeze %dma_wait3A_36 : memref<1x624x128xf32, #tpu.memory_space<hbm>> -> memref<624x128xf32, #tpu.memory_space<hbm>>
      %dma_wait3A_38 = arith.constant 0 : i32
      %dma_wait3A_39 = tpu.memref_slice %arg14[%mul3A_19, %dma_wait3A_38] : memref<10008x128xf32, #tpu.memory_space<vmem_shared>> -> memref<624x128xf32, #tpu.memory_space<vmem_shared>>
      tpu.wait_dma2 semaphore(%run_scoped3A : memref<!tpu.dma_semaphore, #tpu.memory_space<semaphore_mem>>) src(%dma_wait3A_39 : memref<624x128xf32, #tpu.memory_space<vmem_shared>>) dst(%dma_wait3A_37 : memref<624x128xf32, #tpu.memory_space<hbm>>)
      tpu.yield
    }) : () -> ()
    %eq3A_22 = arith.constant 15 : i32
    %eq3A_23 = arith.cmpi eq, %arg1, %eq3A_22 : i32
    %convert_element_type3A_24 = arith.extui %eq3A_23 : i1 to i32
    %cond3A_25 = arith.constant 0 : i32
    %cond3A_26 = arith.cmpi ne, %convert_element_type3A_24, %cond3A_25 : i32
    scf.if %cond3A_26 {
      "tpu.region"() ({
        %run_scoped3A = tpu.sem_alloc : memref<!tpu.dma_semaphore, #tpu.memory_space<semaphore_mem>>
        %dma_start3A = arith.constant 9984 : i32
        %dma_start3A_32 = arith.constant 0 : i32
        %dma_start3A_33 = tpu.memref_slice %arg8[%arg0, %dma_start3A, %dma_start3A_32] : memref<2x10008x128xf32, #tpu.memory_space<hbm>> -> memref<1x24x128xf32, #tpu.memory_space<hbm>>
        %dma_start3A_34 = tpu.memref_squeeze %dma_start3A_33 : memref<1x24x128xf32, #tpu.memory_space<hbm>> -> memref<24x128xf32, #tpu.memory_space<hbm>>
        %dma_start3A_35 = arith.constant 9984 : i32
        %dma_start3A_36 = arith.constant 0 : i32
        %dma_start3A_37 = tpu.memref_slice %arg14[%dma_start3A_35, %dma_start3A_36] : memref<10008x128xf32, #tpu.memory_space<vmem_shared>> -> memref<24x128xf32, #tpu.memory_space<vmem_shared>>
        tpu.enqueue_dma source(%dma_start3A_37 : memref<24x128xf32, #tpu.memory_space<vmem_shared>>) target(%dma_start3A_34 : memref<24x128xf32, #tpu.memory_space<hbm>>) target_semaphore(%run_scoped3A : memref<!tpu.dma_semaphore, #tpu.memory_space<semaphore_mem>>)
        %dma_wait3A = arith.constant 9984 : i32
        %dma_wait3A_38 = arith.constant 0 : i32
        %dma_wait3A_39 = tpu.memref_slice %arg8[%arg0, %dma_wait3A, %dma_wait3A_38] : memref<2x10008x128xf32, #tpu.memory_space<hbm>> -> memref<1x24x128xf32, #tpu.memory_space<hbm>>
        %dma_wait3A_40 = tpu.memref_squeeze %dma_wait3A_39 : memref<1x24x128xf32, #tpu.memory_space<hbm>> -> memref<24x128xf32, #tpu.memory_space<hbm>>
        %dma_wait3A_41 = arith.constant 9984 : i32
        %dma_wait3A_42 = arith.constant 0 : i32
        %dma_wait3A_43 = tpu.memref_slice %arg14[%dma_wait3A_41, %dma_wait3A_42] : memref<10008x128xf32, #tpu.memory_space<vmem_shared>> -> memref<24x128xf32, #tpu.memory_space<vmem_shared>>
        tpu.wait_dma2 semaphore(%run_scoped3A : memref<!tpu.dma_semaphore, #tpu.memory_space<semaphore_mem>>) src(%dma_wait3A_43 : memref<24x128xf32, #tpu.memory_space<vmem_shared>>) dst(%dma_wait3A_40 : memref<24x128xf32, #tpu.memory_space<hbm>>)
        tpu.yield
      }) : () -> ()
    } else {
    }
    %eq3A_27 = arith.constant 0 : i32
    %eq3A_28 = arith.cmpi eq, %arg1, %eq3A_27 : i32
    %convert_element_type3A_29 = arith.extui %eq3A_28 : i1 to i32
    %cond3A_30 = arith.constant 0 : i32
    %cond3A_31 = arith.cmpi ne, %convert_element_type3A_29, %cond3A_30 : i32
    scf.if %cond3A_31 {
      %run_scoped3A = arith.constant 0 : i32
      "tpu.region"() ({
        %run_scoped3A_32 = tpu.sem_alloc : memref<!tpu.dma_semaphore, #tpu.memory_space<semaphore_mem>>
        %dma_start3A = arith.constant 0 : i32
        %dma_start3A_33 = tpu.memref_slice %arg9[%arg0, %run_scoped3A, %dma_start3A] : memref<2x1x10008xf32, #tpu.memory_space<hbm>> -> memref<1x1x10008xf32, #tpu.memory_space<hbm>>
        %dma_start3A_34 = tpu.memref_squeeze %dma_start3A_33 : memref<1x1x10008xf32, #tpu.memory_space<hbm>> -> memref<10008xf32, #tpu.memory_space<hbm>>
        tpu.enqueue_dma source(%arg15 : memref<10008xf32, #tpu.memory_space<vmem_shared>>) target(%dma_start3A_34 : memref<10008xf32, #tpu.memory_space<hbm>>) target_semaphore(%run_scoped3A_32 : memref<!tpu.dma_semaphore, #tpu.memory_space<semaphore_mem>>)
        %dma_wait3A = arith.constant 0 : i32
        %dma_wait3A_35 = tpu.memref_slice %arg9[%arg0, %run_scoped3A, %dma_wait3A] : memref<2x1x10008xf32, #tpu.memory_space<hbm>> -> memref<1x1x10008xf32, #tpu.memory_space<hbm>>
        %dma_wait3A_36 = tpu.memref_squeeze %dma_wait3A_35 : memref<1x1x10008xf32, #tpu.memory_space<hbm>> -> memref<10008xf32, #tpu.memory_space<hbm>>
        tpu.wait_dma2 semaphore(%run_scoped3A_32 : memref<!tpu.dma_semaphore, #tpu.memory_space<semaphore_mem>>) src(%arg15 : memref<10008xf32, #tpu.memory_space<vmem_shared>>) dst(%dma_wait3A_36 : memref<10008xf32, #tpu.memory_space<hbm>>)
        tpu.yield
      }) : () -> ()
    } else {
    }
    return
  }
}

module attributes {stable_mosaic.version = 14 : i64} {
  func.func @_xr_body(%arg0: memref<10000x128xf32, #tpu.memory_space<vmem>>, %arg1: memref<128x128xf32, #tpu.memory_space<vmem>>, %arg2: memref<1x128xf32, #tpu.memory_space<vmem>>, %arg3: memref<10000x128xf32, #tpu.memory_space<vmem>>) attributes {dimension_semantics = [], scalar_prefetch = 0 : i64, scratch_operands = 0 : i64, tpu.core_type = #tpu.core_type<tc>} {
    %get3A = arith.constant 0 : index
    %get3A_0 = arith.constant 0 : index
    %get3A_1 = vector.load %arg0[%get3A, %get3A_0] : memref<10000x128xf32, #tpu.memory_space<vmem>>, vector<10000x128xf32>
    %get3A_2 = arith.constant 0 : index
    %get3A_3 = arith.constant 0 : index
    %get3A_4 = vector.load %arg1[%get3A_2, %get3A_3] : memref<128x128xf32, #tpu.memory_space<vmem>>, vector<128x128xf32>
    %dot_general3A = arith.constant dense<0.000000e+00> : vector<10000x128xf32>
    %dot_general3A_5 = tpu.matmul %get3A_1, %get3A_4, %dot_general3A {dimension_numbers = #tpu.dot_dimension_numbers<[1], [1], [0], [0], [0, 0, 1, 0], [], []>, transpose_lhs_hint = false} : vector<10000x128xf32>, vector<128x128xf32>, vector<10000x128xf32> -> vector<10000x128xf32>
    %get3A_6 = arith.constant 0 : index
    %get3A_7 = arith.constant 0 : index
    %get3A_8 = vector.load %arg2[%get3A_6, %get3A_7] : memref<1x128xf32, #tpu.memory_space<vmem>>, vector<1x128xf32>
    %add3A = vector.broadcast %get3A_8 : vector<1x128xf32> to vector<10000x128xf32>
    %add3A_9 = arith.addf %dot_general3A_5, %add3A : vector<10000x128xf32>
    %swap3A = arith.constant 0 : index
    %swap3A_10 = arith.constant 0 : index
    %swap3A_11 = vector.load %arg3[%swap3A, %swap3A_10] : memref<10000x128xf32, #tpu.memory_space<vmem>>, vector<10000x128xf32>
    tpu.vector_store %arg3[%swap3A, %swap3A_10], %add3A_9 {strides = array<i32>} : memref<10000x128xf32, #tpu.memory_space<vmem>>, vector<10000x128xf32>,
    return
  }
}

module attributes {stable_mosaic.version = 14 : i64} {
  func.func @_tc_body(%arg0: memref<2x10008x128xf32, #tpu.memory_space<vmem>>, %arg1: memref<10000x1xf32, #tpu.memory_space<vmem>>, %arg2: memref<10000x1xf32, #tpu.memory_space<vmem>>, %arg3: memref<10000x128xf32, #tpu.memory_space<vmem>>, %arg4: memref<1x10000xi32, #tpu.memory_space<vmem>>, %arg5: memref<128x128xf32, #tpu.memory_space<vmem>>, %arg6: memref<32x128xf32, #tpu.memory_space<vmem>>, %arg7: memref<1x32xf32, #tpu.memory_space<vmem>>, %arg8: memref<64x32xf32, #tpu.memory_space<vmem>>, %arg9: memref<10000x128xf32, #tpu.memory_space<vmem>>) attributes {dimension_semantics = [], scalar_prefetch = 0 : i64, scratch_operands = 0 : i64, tpu.core_type = #tpu.core_type<tc>} {
    %get3A = arith.constant 0 : index
    %get3A_0 = arith.constant 0 : index
    %get3A_1 = arith.constant 0 : index
    %get3A_2 = vector.load %arg0[%get3A, %get3A_0, %get3A_1] : memref<2x10008x128xf32, #tpu.memory_space<vmem>>, vector<1x10000x128xf32>
    %get3A_3 = vector.shape_cast %get3A_2 : vector<1x10000x128xf32> to vector<10000x128xf32>
    %get3A_4 = arith.constant 1 : index
    %get3A_5 = arith.constant 0 : index
    %get3A_6 = arith.constant 0 : index
    %get3A_7 = vector.load %arg0[%get3A_4, %get3A_5, %get3A_6] : memref<2x10008x128xf32, #tpu.memory_space<vmem>>, vector<1x10000x128xf32>
    %get3A_8 = vector.shape_cast %get3A_7 : vector<1x10000x128xf32> to vector<10000x128xf32>
    %add3A = arith.addf %get3A_3, %get3A_8 : vector<10000x128xf32>
    %get3A_9 = arith.constant 0 : index
    %get3A_10 = arith.constant 0 : index
    %get3A_11 = vector.load %arg1[%get3A_9, %get3A_10] : memref<10000x1xf32, #tpu.memory_space<vmem>>, vector<10000x1xf32>
    %get3A_12 = arith.constant 0 : index
    %get3A_13 = arith.constant 0 : index
    %get3A_14 = vector.load %arg2[%get3A_12, %get3A_13] : memref<10000x1xf32, #tpu.memory_space<vmem>>, vector<10000x1xf32>
    %add3A_15 = arith.addf %get3A_11, %get3A_14 : vector<10000x1xf32>
    %max3A = arith.constant 1.000000e+00 : f32
    %max3A_16 = vector.broadcast %max3A : f32 to vector<10000x1xf32>
    %max3A_17 = arith.maximumf %add3A_15, %max3A_16 : vector<10000x1xf32>
    %div3A = vector.broadcast %max3A_17 : vector<10000x1xf32> to vector<10000x128xf32>
    %div3A_18 = arith.divf %add3A, %div3A : vector<10000x128xf32>
    %get3A_19 = arith.constant 0 : index
    %get3A_20 = arith.constant 0 : index
    %get3A_21 = vector.load %arg5[%get3A_19, %get3A_20] : memref<128x128xf32, #tpu.memory_space<vmem>>, vector<128x128xf32>
    %dot_general3A = arith.constant dense<0.000000e+00> : vector<10000x128xf32>
    %dot_general3A_22 = tpu.matmul %div3A_18, %get3A_21, %dot_general3A {dimension_numbers = #tpu.dot_dimension_numbers<[1], [1], [0], [0], [0, 0, 1, 0], [], []>, transpose_lhs_hint = false} : vector<10000x128xf32>, vector<128x128xf32>, vector<10000x128xf32> -> vector<10000x128xf32>
    %get3A_23 = arith.constant 0 : index
    %get3A_24 = arith.constant 0 : index
    %get3A_25 = vector.load %arg3[%get3A_23, %get3A_24] : memref<10000x128xf32, #tpu.memory_space<vmem>>, vector<10000x128xf32>
    %add3A_26 = arith.addf %dot_general3A_22, %get3A_25 : vector<10000x128xf32>
    %swap3A = arith.constant 0 : index
    %swap3A_27 = arith.constant 0 : index
    %swap3A_28 = vector.load %arg9[%swap3A, %swap3A_27] : memref<10000x128xf32, #tpu.memory_space<vmem>>, vector<10000x128xf32>
    tpu.vector_store %arg9[%swap3A, %swap3A_27], %add3A_26 {strides = array<i32>} : memref<10000x128xf32, #tpu.memory_space<vmem>>, vector<10000x128xf32>,
    %iota3A = tpu.iota {dimensions = array<i32: 0>} : vector<64x10000xi32>
    %get3A_29 = arith.constant 0 : index
    %get3A_30 = arith.constant 0 : index
    %get3A_31 = vector.load %arg4[%get3A_29, %get3A_30] : memref<1x10000xi32, #tpu.memory_space<vmem>>, vector<1x10000xi32>
    %eq3A = vector.broadcast %get3A_31 : vector<1x10000xi32> to vector<64x10000xi32>
    %eq3A_32 = arith.cmpi eq, %iota3A, %eq3A : vector<64x10000xi32>
    %convert_element_type3A = arith.extui %eq3A_32 : vector<64x10000xi1> to vector<64x10000xi32>
    %convert_element_type3A_33 = arith.sitofp %convert_element_type3A : vector<64x10000xi32> to vector<64x10000xf32>
    %dot_general3A_34 = arith.constant dense<0.000000e+00> : vector<64x128xf32>
    %dot_general3A_35 = tpu.matmul %convert_element_type3A_33, %add3A_26, %dot_general3A_34 {dimension_numbers = #tpu.dot_dimension_numbers<[1], [0], [0], [1], [0, 0, 1, 1], [], []>, transpose_lhs_hint = false} : vector<64x10000xf32>, vector<10000x128xf32>, vector<64x128xf32> -> vector<64x128xf32>
    %reduce_sum3A = arith.constant dense<0.000000e+00> : vector<64xf32>
    %reduce_sum3A_36 = vector.multi_reduction <add>, %convert_element_type3A_33, %reduce_sum3A [1] : vector<64x10000xf32> to vector<64xf32>
    %broadcast_in_dim3A = vector.shape_cast %reduce_sum3A_36 : vector<64xf32> to vector<64x1xf32>
    %max3A_37 = arith.constant 1.000000e+00 : f32
    %max3A_38 = vector.broadcast %max3A_37 : f32 to vector<64x1xf32>
    %max3A_39 = arith.maximumf %broadcast_in_dim3A, %max3A_38 : vector<64x1xf32>
    %div3A_40 = vector.broadcast %max3A_39 : vector<64x1xf32> to vector<64x128xf32>
    %div3A_41 = arith.divf %dot_general3A_35, %div3A_40 : vector<64x128xf32>
    %get3A_42 = arith.constant 0 : index
    %get3A_43 = arith.constant 0 : index
    %get3A_44 = vector.load %arg6[%get3A_42, %get3A_43] : memref<32x128xf32, #tpu.memory_space<vmem>>, vector<32x128xf32>
    %dot_general3A_45 = arith.constant dense<0.000000e+00> : vector<64x32xf32>
    %dot_general3A_46 = tpu.matmul %div3A_41, %get3A_44, %dot_general3A_45 {dimension_numbers = #tpu.dot_dimension_numbers<[1], [1], [0], [0], [0, 0, 1, 0], [], []>, transpose_lhs_hint = false} : vector<64x128xf32>, vector<32x128xf32>, vector<64x32xf32> -> vector<64x32xf32>
    %get3A_47 = arith.constant 0 : index
    %get3A_48 = arith.constant 0 : index
    %get3A_49 = vector.load %arg7[%get3A_47, %get3A_48] : memref<1x32xf32, #tpu.memory_space<vmem>>, vector<1x32xf32>
    %add3A_50 = vector.broadcast %get3A_49 : vector<1x32xf32> to vector<64x32xf32>
    %add3A_51 = arith.addf %dot_general3A_46, %add3A_50 : vector<64x32xf32>
    %swap3A_52 = arith.constant 0 : index
    %swap3A_53 = arith.constant 0 : index
    %swap3A_54 = vector.load %arg8[%swap3A_52, %swap3A_53] : memref<64x32xf32, #tpu.memory_space<vmem>>, vector<64x32xf32>
    tpu.vector_store %arg8[%swap3A_52, %swap3A_53], %add3A_51 {strides = array<i32>} : memref<64x32xf32, #tpu.memory_space<vmem>>, vector<64x32xf32>,
    return
  }
}

</mosaic_0001>

<sc_bundles>
// kernel: kernel.5.cloned.1.call-start
scs
__scs_entry_jumppad:
0x0: {  	(pc) =	sbr.rel $0x88, $3  }
0x1: {  	(tag) =	ssettag $0x0;
	lr =	simm.s32 $0x1  }
0x2: {  	[smem:$0x3F99] =	sst lr;
	_ =	strace $0xD0000000  }
0x3: {  	_ = 	snop  }
0x4: {  	_ = 	snop  }
0x5: {  	_ = 	snop  }
0x6: {  	_ = 	snop  }
0x7: {  	_ = 	snop  }
__scs_overlays_trampoline_lowered:
0x8: {  	[smem:$0x3FA8] =	sst s0  }
0x9: {  	[smem:$0x3FA9] =	sst s1  }
0xa: {  	[smem:$0x3FAA] =	sst s2  }
0xb: {  	[smem:$0x3FAB] =	sst s3  }
0xc: {  	[smem:$0x3FAC] =	sst s4  }
0xd: {  	[smem:$0x3FAD] =	sst s5  }
0xe: {  	[smem:$0x3FAE] =	sst s6  }
0xf: {  	[smem:$0x3FAF] =	sst s7  }
0x10: {  	[smem:$0x3FB0] =	sst s8  }
0x11: {  	[smem:$0x3FB1] =	sst s9;
	s0 =	simm.s32 @!p0 $0x0  }
0x12: {  	s1 =	sld [smem:$0x3F97];
	s0 =	simm.s32 @p0 $0x1  }
0x13: {  	[smem:$0x3FB2] =	sst s0;
	s0 =	simm.s32 @!p1 $0x0  }
0x14: {  	s2 =	sld [smem:$0x3F96];
	s0 =	simm.s32 @p1 $0x1  }
0x15: {  	[smem:$0x3FB3] =	sst s0;
	s0 =	simm.s32 @!p2 $0x0  }
0x16: {  	s3 =	sld [smem:$0x3FDB];
	s0 =	simm.s32 @p2 $0x1  }
0x17: {  	s4 =	simm.s32 $0x1BF5;
	[smem:$0x3FB5] =	sst s0  }
0x18: {  	s0 =	sld [smem:$0x3F98];
	_ =	swait.ge [sflag:s4], $0x0  }
0x19: {  	s7 =	sld [smem:$0x3F99]  }
0x1a: {  	s8 =	sadd.s32 $0xFFFFE003, lr  }
0x1b: {  	s9 =	sadd.s32 $0xFFFFFEF7, lr;
	s5 =	simm.s32 $0xFFFFFFFF;
	p2 =	slt.u32 s8, $0xFFFFF086  }
0x1c: {  	p1 =	slt.u32 s9, $0xF7A;
	s5 =	simm.s32 @!p2 $0x0  }
0x1d: {  	s5 =	simm.s32 @p1 $0x1;
	p0 =	seq.s32 s7, s2  }
0x1e: {  	s7 =	smul.u32 @!p0 $0xF7A, s2;
	p2 =	seq.s32 @!p0 s5, $0x0  }
0x1f: {  	s9 =	smul.u32 $0xF7A, s1;
	s8 =	simm.s32 @!p0 $0x1BF5;
	p2 =	por !p2, p0  }
0x20: {  	[sflag:s8] =	ssyncset.s32 @!p0 $0xFFFFF086;
	s6 =	sadd.s32 @!p0 s3, s7;
	s7 =	simm.s32 @!p0 $0x108  }
0x21: {  	s3 =	sadd.s32 s3, s9;
	s6 =	sadd.s32 @!p0 $0x88, s6;
	s7 =	simm.s32 @p2 $0x1082  }
0x22: {  	[simem:s7], [sflag:s8] =	dma.local @!p0 [hbm:s6], $0xF7A  }
0x23: {  	s9 =	sor.u32 $0xD0000000, s2;
	s6 =	simm.s32 $0x108;
	_ =	swait.ge @!p0 [sflag:s8], $0x0  }
0x24: {  	s3 =	sadd.s32 $0x88, s3;
	s6 =	simm.s32 @!p1 $0x1082;
	[sflag:s4] =	ssyncset.s32 $0xFFFFF086  }
0x25: {  	[simem:s6], [sflag:s4] =	dma.local [hbm:s3], $0xF7A  }
0x26: {  	[smem:$0x3F99] =	sst s1;
	(tag) =	ssettag s2;
	_ =	strace s9  }
0x27: {  	s1 =	sld [smem:$0x3FA9]  }
0x28: {  	s2 =	sld [smem:$0x3FAA]  }
0x29: {  	s4 =	sld [smem:$0x3FAC]  }
0x2a: {  	p0 =	seq.s32 s5, $0x0;
	s5 =	sld [smem:$0x3FAD]  }
0x2b: {  	s6 =	sld [smem:$0x3FAE]  }
0x2c: {  	s7 =	sld [smem:$0x3FAF]  }
0x2d: {  	s3 =	simm.s32 $0x108;
	s8 =	sld [smem:$0x3FB0]  }
0x2e: {  	s3 =	simm.s32 @!p0 $0x1082;
	s9 =	sld [smem:$0x3FB1]  }
0x2f: {  	lr =	sadd.s32 s0, s3;
	s0 =	sld [smem:$0x3FA8]  }
0x30: {  	s3 =	sld [smem:$0x3FAB]  }
0x31: {  	[smem:$0x3FB4] =	sst s10  }
0x32: {  	s10 =	sld [smem:$0x3FB2];
	_ =	sdelay $0x3  }
0x33: {  	p0 =	seq.s32 s10, $0x1;
	s10 =	sld [smem:$0x3FB4];
	_ =	sdelay $0x3  }
0x34: {  	[smem:$0x3FB4] =	sst s10  }
0x35: {  	s10 =	sld [smem:$0x3FB3];
	_ =	sdelay $0x3  }
0x36: {  	p1 =	seq.s32 s10, $0x1;
	s10 =	sld [smem:$0x3FB4];
	_ =	sdelay $0x3  }
0x37: {  	[smem:$0x3FB4] =	sst s10  }
0x38: {  	s10 =	sld [smem:$0x3FB5]  }
0x39: {  	_ = 	snop;
	(pc) =	sbr.ind lr, $3  }
0x3a: {  	_ = 	snop  }
0x3b: {  	_ = 	snop  }
0x3c: {  	p2 =	seq.s32 s10, $0x1;
	s10 =	sld [smem:$0x3FB4]  }
0x3d: {  	_ =	shalt  }
0x3e: {  	_ =	shalt  }
0x3f: {  	_ =	shalt  }
0x40: {  	_ =	shalt  }
0x41: {  	_ =	shalt  }
0x42: {  	_ =	shalt  }
0x43: {  	_ =	shalt  }
0x44: {  	_ =	shalt  }
0x45: {  	_ =	shalt  }
0x46: {  	_ =	shalt  }
0x47: {  	_ =	shalt  }
0x48: {  	_ =	shalt  }
0x49: {  	_ =	shalt  }
0x4a: {  	_ =	shalt  }
0x4b: {  	_ =	shalt  }
0x4c: {  	_ =	shalt  }
0x4d: {  	_ =	shalt  }
0x4e: {  	_ =	shalt  }
0x4f: {  	_ =	shalt  }
0x50: {  	_ =	shalt  }
0x51: {  	_ =	shalt  }
0x52: {  	_ =	shalt  }
0x53: {  	_ =	shalt  }
0x54: {  	_ =	shalt  }
0x55: {  	_ =	shalt  }
0x56: {  	_ =	shalt  }
0x57: {  	_ =	shalt  }
0x58: {  	_ =	shalt  }
0x59: {  	_ =	shalt  }
0x5a: {  	_ =	shalt  }
0x5b: {  	_ =	shalt  }
0x5c: {  	_ =	shalt  }
0x5d: {  	_ =	shalt  }
0x5e: {  	_ =	shalt  }
0x5f: {  	_ =	shalt  }
0x60: {  	_ =	shalt  }
0x61: {  	_ =	shalt  }
0x62: {  	_ =	shalt  }
0x63: {  	_ =	shalt  }
0x64: {  	_ =	shalt  }
0x65: {  	_ =	shalt  }
0x66: {  	_ =	shalt  }
0x67: {  	_ =	shalt  }
0x68: {  	_ =	shalt  }
0x69: {  	_ =	shalt  }
0x6a: {  	_ =	shalt  }
0x6b: {  	_ =	shalt  }
0x6c: {  	_ =	shalt  }
0x6d: {  	_ =	shalt  }
0x6e: {  	_ =	shalt  }
0x6f: {  	_ =	shalt  }
0x70: {  	_ =	shalt  }
0x71: {  	_ =	shalt  }
0x72: {  	_ =	shalt  }
0x73: {  	_ =	shalt  }
0x74: {  	_ =	shalt  }
0x75: {  	_ =	shalt  }
0x76: {  	_ =	shalt  }
0x77: {  	_ =	shalt  }
0x78: {  	_ =	shalt  }
0x79: {  	_ =	shalt  }
0x7a: {  	_ =	shalt  }
0x7b: {  	_ =	shalt  }
0x7c: {  	_ =	shalt  }
0x7d: {  	_ =	shalt  }
0x7e: {  	_ =	shalt  }
0x7f: {  	_ =	shalt  }
0x80: {  	_ =	shalt  }
0x81: {  	_ =	shalt  }
0x82: {  	_ =	shalt  }
0x83: {  	_ =	shalt  }
0x84: {  	_ =	shalt  }
0x85: {  	_ =	shalt  }
0x86: {  	_ =	shalt  }
0x87: {  	_ =	shalt  }
.Lfunc_end0:
.L_simem_size_0:
called_computation_lowered:
.L_overlay_start_0:
0x88: {  	s2 =	sld [smem:$0x3FD9]  }
0x89: {  	s3 =	sld [smem:$0x3FFE];
	_ =	sdelay $0x1  }
0x8a: {  	s1 =	srdreg.scid  }
0x8b: {  	s0 =	sand.u32 $0x1, s1  }
0x8c: {  	s14 =	sshll.u32 s0, $0xA;
	s2 =	sadd.s32 s3, s2  }
0x8d: {  	s2 =	sadd.s32 s2, s14  }
0x8e: {  	[smem:$0x3FC0] =	sst s2  }
0x8f: {  	_ = 	snop  }
0x90: {  	s2 =	sld [smem:$0x3FD0];
	_ =	sdelay $0x2  }
0x91: {  	s4 =	simm.s32 $0xA;
	s5 =	simm.s32 $0x10;
	s15 =	sld [smem:$0x3FC9]  }
0x92: {  	[smem:s5], [sflag:s4] =	dma.local [hbm:s2], $0x1  }
0x93: {  	_ =	swait.eq [sflag:s4], $0x1  }
0x94: {  	[sflag:s4] =	ssyncset.done $0x0  }
0x95: {  	s16 =	sld [smem:$0x10];
	[sflag:s4] =	ssyncadd.s32 $0xFFFFFFFF  }
0x96: {  	s17 =	sld [smem:$0x11];
	(tm) =	ssettm $0x1  }
0x97: {  	s18 =	sld [smem:$0x3FFB];
	_ =	sdelay $0x3  }
0x98: {  	_ =	strace s18  }
0x99: {  	s5 =	sld [smem:$0x3FFC];
	_ =	sdelay $0x3  }
0x9a: {  	_ =	strace s5  }
0x9b: {  	s5 =	sld [smem:$0x3FFD];
	_ =	sdelay $0x3  }
0x9c: {  	_ =	strace s5  }
0x9d: {  	_ =	strace $0x8FFFFFFF  }
0x9e: {  	s19 =	sld [smem:$0x3FDB];
	_ =	sdelay $0x1  }
0x9f: {  	s6 =	simm.s32 $_scs_section_size  }
0xa0: {  	s7 =	simm.s32 $_size__tile_overlayer_lowered;
	s8 =	simm.s32 $_tile_overlayer_lowered  }
0xa1: {  	s22 =	simm.s32 $0x1BFF;
	s21 =	sshll.u32 s8, $0x1;
	s5 =	sadd.s32 s6, s19  }
0xa2: {  	s9 =	simm.s32 $0x0;
	s20 =	sshll.u32 s7, $0x1;
	s7 =	sadd.s32 s21, s5  }
0xa3: {  	[timem:s9], [sflag:s22] =	dma.local [hbm:s7], s20  }
0xa4: {  	_ =	swait.ge [sflag:s22], s20  }
0xa5: {  	s6 =	ssub.s32 $0x0, s20;
	[sflag:s22] =	ssyncset.done $0x0  }
0xa6: {  	[sflag:s22] =	ssyncadd.s32 s6;
	_ =	sdelay $0x1  }
0xa7: {  	s23 =	simm.s32 $0x1B8B  }
0xa8: {  	_ =	swait.ge [sflag:s23], $0x1  }
0xa9: {  	[sflag:s23] =	ssyncset.done $0x0  }
0xaa: {  	s25 =	simm.s32 $0x1B8E;
	s24 =	sld [smem:$0x3FFE];
	[sflag:s23] =	ssyncadd.s32 $0xFFFFFFFF  }
0xab: {  	s26 =	simm.s32 $execute0_lowered;
	[smem:$0x3FD2] =	sst s25  }
0xac: {  	s7 =	sshll.u32 s26, $0x1;
	_ =	strace $0x80000046;
	[dreg:$0x1] =	wrdreg $0xFFFFFFFF  }
0xad: {  	s28 =	simm.s32 $_size_execute0_lowered;
	s5 =	sadd.s32 s5, s7;
	[dreg:$0x0] =	wrdreg $0x0  }
0xae: {  	s7 =	sshll.u32 s28, $0x1;
	[dreg:$0x2] =	wrdreg s5  }
0xaf: {  	[dreg:$0x3] =	wrdreg s7  }
0xb0: {  	[dreg:$0x4] =	wrdreg $0xC0  }
0xb1: {  	_ =	task [dreg:s9], $0x5FFFF  }
0xb2: {  	[dreg:$0x1] =	wrdreg $0xFFFFFFFF  }
0xb3: {  	[dreg:$0x0] =	wrdreg $0x60  }
0xb4: {  	[dreg:$0x2] =	wrdreg s15  }
0xb5: {  	[dreg:$0x3] =	wrdreg s17  }
0xb6: {  	[dreg:$0x4] =	wrdreg s24  }
0xb7: {  	[dreg:$0x5] =	wrdreg s16  }
0xb8: {  	[dreg:$0x6] =	wrdreg $0x90800  }
0xb9: {  	[dreg:$0x7] =	wrdreg $0x1C9400  }
0xba: {  	[dreg:$0x8] =	wrdreg $0x9  }
0xbb: {  	_ =	task.clear_ibuf [dreg:s9], $0x9FFFF;
	_ =	strace $0x90000046  }
0xbc: {  	s29 =	simm.s32 $0x9;
	_ =	strace $0x80000048  }
0xbd: {  	_ =	swait.ge [sflag:s29], $0x1  }
0xbe: {  	[sflag:s29] =	ssyncadd.s32 $0xFFFFFFFF  }
0xbf: {  	_ =	strace $0x90000048  }
0xc0: {  	_ =	sfence  }
0xc1: {  	s30 =	sld [smem:$0x0];
	_ =	sdelay $0x2  }
0xc2: {  	s31 =	sshll.u32 s1, $0xD;
	s1 =	sshrl.u32 s1, $0x2  }
0xc3: {  	s3 =	sand.u32 $0x4000, s31;
	s1 =	sadd.s32 s1, s30  }
0xc4: {  	s0 =	sor.u32 s3, s0;
	s1 =	sshll.u32 s1, $0x11  }
0xc5: {  	s0 =	sor.u32 s1, s0  }
0xc6: {  	s0 =	sadd.s32 $0x8F2B, s0  }
0xc7: {  	[sflag:s0] =	ssyncadd.remote.s32 $0x1  }
0xc8: {  	_ =	sfence.sel $0xFFFF  }
0xc9: {  	[dreg:$0x0] =	wrdreg $0xFFFFFFFF;
	(pc) =	sbr.abs _section_cstart, $3  }
0xca: {  	[dreg:$0x1] =	wrdreg $0xFFFFFFFF  }
0xcb: {  	_ =	task.clear_ibuf [dreg:s9], $0x2FFFF;
	_ =	strace $0x9FFFFFFF  }
0xcc: {  	(tm) =	ssettm $0x7FFFFFFF  }
0xcd: {  	_ =	shalt  }
tec
execute0_lowered:
.L_overlay_start_1:
0x0: {  	(tag) =	ssettag $0x1  }
0x1: {  	s0 =	rddreg [dreg:$0x0]  }
0x2: {  	s12 =	rddreg [dreg:$0x1]  }
0x3: {  	s11 =	rddreg [dreg:$0x2]  }
0x4: {  	s2 =	rddreg [dreg:$0x3]  }
0x5: {  	s4 =	rddreg [dreg:$0x4]  }
0x6: {  	s1 =	srdreg.scid;
	s5 =	rddreg [dreg:$0x5]  }
0x7: {  	s6 =	simm.s32 $0x0;
	p1 =	por $0x0, $0x0;
	s22 =	simm.s32 $0x2800  }
0x8: {  	s23 =	simm.s32 $0x9000;
	s24 =	simm.s32 $0x80;
	s25 =	simm.s32 $0x5000  }
0x9: {  	s28 =	simm.s32 $0x0;
	s8 =	sand.u32 $0x1, s1;
	s1 =	stileid.u32  }
0xa: {  	[smem:$0x7FF] =	sst s6;
	s18 =	sadd.s32 $0x33A00, s11;
	s14 =	smul.u32 $0x13800, s1  }
0xb: {  	s3 =	sshll.u32 s8, $0x4;
	_ =	strace $0x80000047;
	s9 =	smul.u32 $0x4F0, s8  }
0xc: {  	s16 =	ssub.s32 $0x2, s8;
	s17 =	smul.u32 $0x4E000, s1;
	s30 =	sshll.u32 s1, $0x6  }
0xd: {  	s31 =	smul.u32 $0x138C00, s8;
	p0 =	seq.s32 s1, $0x0;
	p4 =	sne.s32 s1, $0xF  }
0xe: {  	s7 =	sor.u32 s1, s3;
	s19 =	sshrl.u32 s16, $0x1;
	p3 =	sne.s32 @!p0 s1, $0xF  }
0xf: {  	s13 =	smul.u32 $0x500, s7;
	s26 =	sshrl.u32 s14, $0x3;
	s7 =	sadd.s32 $0xB800, s11  }
0x10: {  	s20 =	sadd.s32 s9, s11;
	s19 =	ssub.s32 s16, s19;
	s29 =	sshrl.u32 s17, $0x2  }
0x11: {  	s9 =	sor.u32 $0x1C02, s30;
	s14 =	sadd.s32 s14, s31;
	s16 =	sshrl.u32 s31, $0x3  }
0x12: {  	p2 =	por p3, p0;
	p3 =	por !p3, p0;
	s10 =	sadd.s32 s26, s11  }
0x13: {  	s21 =	sadd.s32 s29, s4;
	s14 =	sshrl.u32 s14, $0x3;
	s16 =	sadd.s32 s18, s16  }
0x14: {  	s17 =	smax.u32 s19, $0x1;
	s19 =	simm.s32 $0x2;
	s26 =	simm.s32 $0x1  }
0x15: {  	s15 =	sadd.s32 s13, s11;
	s8 =	sadd.s32 $0xBE00, s10;
	s10 =	sadd.s32 $0x138000, s4  }
0x16: {  	s11 =	sadd.s32 $0x32E00, s11;
	s12 =	sadd.s32 s12, s13;
	s14 =	sadd.s32 s18, s14  }
0x17: {  	s18 =	sshrl.u32 s21, $0x3;
	s13 =	sadd.s32 $0x1800, s15;
	s15 =	sadd.s32 $0x27000, s16  }
0x18: {  	s16 =	sadd.s32 $0x33000, s20;
	s20 =	sshrl.u32 @p0 s5, $0x3;
	s21 =	sshrl.u32 @!p2 s10, $0x3  }
.LBB2_1:
0x19: {  	[spmem:s18], [sflag:s9] =	dma.local [hbm:s8], $0x2700  }
0x1a: {  	_ =	swait.ge [sflag:s19], $0x2700  }
0x1b: {  	[sflag:s19] =	ssyncset.done $0x0  }
0x1c: {  	s29 =	simm.s32 @p0 $0x2;
	[sflag:s19] =	ssyncadd.s32 $0xFFFFD900  }
0x1d: {  	[spmem:s20], [sflag:s9] =	dma.local @p0 [hbm:s7], $0x4F0  }
0x1e: {  	_ =	swait.ge @p0 [sflag:s29], $0x4F0  }
0x1f: {  	[sflag:s29] =	ssyncset.done @p0 $0x0  }
0x20: {  	[sflag:s29] =	ssyncadd.s32 @p0 $0xFFFFFB10;
	s29 =	simm.s32 @!p2 $0x2  }
0x21: {  	[spmem:s21], [sflag:s9] =	dma.local @!p2 [hbm:s11], $0x180  }
0x22: {  	_ =	swait.ge @!p2 [sflag:s29], $0x180  }
0x23: {  	[sflag:s29] =	ssyncset.done @!p2 $0x0  }
0x24: {  	[sflag:s29] =	ssyncadd.s32 @!p2 $0xFFFFFE80  }
0x25: {  	[tilespmem:s6], [sflag:$0x2] =	stream.linear.gather [hbm4b:s12+s6], $0x2780, $0x38;
	[tilespmem:$0x1CBB8] =	vst v63  }
0x26: {  	_ =	swait.ge [sflag:s19], $0x2780  }
0x27: {  	[sflag:s19] =	ssyncset.done $0x0  }
0x28: {  	[sflag:s19] =	ssyncadd.s32 $0xFFFFD880  }
0x29: {  	[tilespmem:s22], [sflag:$0x2] =	stream.linear.gather [hbm4b:s13+s6], $0x2780, $0x38;
	[tilespmem:$0x1CBB8] =	vst v63  }
0x2a: {  	_ =	swait.ge [sflag:s19], $0x2780  }
0x2b: {  	[sflag:s19] =	ssyncset.done $0x0  }
0x2c: {  	[sflag:s19] =	ssyncadd.s32 $0xFFFFD880  }
0x2d: {  	[tilespmem:s23], [sflag:$0x2] =	stream.linear.gather [hbm4b:s2+s6], $0x80, $0x38;
	[tilespmem:$0x1CBB8] =	vst v63  }
0x2e: {  	_ =	swait.ge [sflag:s19], $0x80  }
0x2f: {  	[sflag:s19] =	ssyncset.done $0x0  }
0x30: {  	[sflag:s19] =	ssyncadd.s32 $0xFFFFFF80  }
0x31: {  	s29 =	simm.s32 $0x0;
	[bflag:$0x0] =	sbarrier.arrive $0xFFFF  }
0x32: {  	[tilespmem:s25], [sflag:$0x1] =	stream.indirect.gather [hbm4b:s0+s24], $0x80, s29, s24, $0xb8;
	[tilespmem:$0x1CBB8] =	vst v63  }
0x33: {  	_ =	swait.ge [sflag:s26], $0x4000  }
0x34: {  	[sflag:s26] =	ssyncset.done $0x0  }
0x35: {  	s29 =	simm.s32 $0x2800;
	[sflag:s26] =	ssyncadd.s32 $0xFFFFC000  }
0x36: {  	[spmem:s4] =	stream.indirect.scatter.add.f32 [tilespmem:s25], [sflag:$0x2], $0x80, s29, s24, $0xb8;
	[tilespmem:$0x1CBB8] =	vst v63  }
0x37: {  	_ =	swait.ge [sflag:s19], $0x4000  }
0x38: {  	[sflag:s19] =	ssyncset.done $0x0  }
0x39: {  	p6 =	por @!p2 $0x0, $0x0;
	p5 =	por @p0 $0x1, $0x1;
	[sflag:s19] =	ssyncadd.s32 $0xFFFFC000  }
0x3a: {  	[spmem:s5] =	stream.indirect.scatter.add.f32 [tilespmem:s23], [sflag:$0x2], $0x1, s29, s24, $0xb8;
	[tilespmem:$0x1CBB8] =	vst v63  }
0x3b: {  	s30 =	simm.s32 $0x400;
	p6 =	por @!p3 p1, p1;
	_ =	swait.ge [sflag:s19], $0x80  }
0x3c: {  	p5 =	por @!p0 p6, p6;
	s29 =	simm.s32 $0x200;
	[sflag:s19] =	ssyncset.done $0x0  }
.LBB2_2:
0x3d: {  	s31 =	sshra.s32 s29, $0x2  }
0x3e: {  	[sflag:s19] =	ssyncadd.s32 $0xFFFFFF80;
	s29 =	smov.u32 s30;
	s3 =	sadd.s32 $0x200, s30  }
0x3f: {  	[tilespmem:s25], [sflag:$0x1] =	stream.indirect.gather [hbm4b:s0+s24], $0x80, s31, s24, $0xb8;
	[tilespmem:$0x1CBB8] =	vst v63  }
0x40: {  	p6 =	sne.s32 s30, $0x9C00;
	_ =	swait.ge [sflag:s26], $0x4000  }
0x41: {  	[sflag:s26] =	ssyncset.done $0x0  }
0x42: {  	s30 =	sadd.s32 $0x2800, s31;
	[sflag:s26] =	ssyncadd.s32 $0xFFFFC000  }
0x43: {  	[spmem:s4] =	stream.indirect.scatter.add.f32 [tilespmem:s25], [sflag:$0x2], $0x80, s30, s24, $0xb8;
	[tilespmem:$0x1CBB8] =	vst v63  }
0x44: {  	_ =	swait.ge [sflag:s19], $0x4000  }
.Ltmp0:
0x45: {  	[sflag:s19] =	ssyncset.done $0x0;
	(pc) =	sbr.rel @p6 .LBB2_2-.Ltmp0, $4  }
0x46: {  	[sflag:s19] =	ssyncadd.s32 $0xFFFFC000  }
0x47: {  	[spmem:s5] =	stream.indirect.scatter.add.f32 [tilespmem:s23], [sflag:$0x2], $0x1, s30, s24, $0xb8;
	[tilespmem:$0x1CBB8] =	vst v63  }
0x48: {  	_ =	swait.ge [sflag:s19], $0x80  }
0x49: {  	s30 =	smov.u32 s3;
	[sflag:s19] =	ssyncset.done $0x0  }
0x4a: {  	s3 =	sshra.s32 s29, $0x2;
	[sflag:s19] =	ssyncadd.s32 $0xFFFFFF80  }
0x4b: {  	[tilespmem:s25], [sflag:$0x1] =	stream.indirect.gather [hbm4b:s0+s24], $0x80, s3, s24, $0xb8;
	[tilespmem:$0x1CBB8] =	vst v63  }
0x4c: {  	_ =	swait.ge [sflag:s26], $0x4000  }
0x4d: {  	[sflag:s26] =	ssyncset.done $0x0  }
0x4e: {  	s3 =	sadd.s32 $0x2800, s3;
	[sflag:s26] =	ssyncadd.s32 $0xFFFFC000  }
0x4f: {  	[spmem:s4] =	stream.indirect.scatter.add.f32 [tilespmem:s25], [sflag:$0x2], $0x80, s3, s24, $0xb8;
	[tilespmem:$0x1CBB8] =	vst v63  }
0x50: {  	_ =	swait.ge [sflag:s19], $0x4000  }
0x51: {  	[sflag:s19] =	ssyncset.done $0x0  }
0x52: {  	[sflag:s19] =	ssyncadd.s32 $0xFFFFC000  }
0x53: {  	[spmem:s5] =	stream.indirect.scatter.add.f32 [tilespmem:s23], [sflag:$0x2], $0x1, s3, s24, $0xb8;
	[tilespmem:$0x1CBB8] =	vst v63  }
0x54: {  	_ =	swait.ge [sflag:s19], $0x80  }
0x55: {  	[sflag:s19] =	ssyncset.done $0x0  }
0x56: {  	[sflag:s19] =	ssyncadd.s32 $0xFFFFFF80  }
0x57: {  	[bflag:$0x0] =	sbarrier.arrive $0xFFFF  }
0x58: {  	[hbm:s14], [sflag:s9] =	dma.local [spmem:s18], $0x2700  }
0x59: {  	_ =	swait.ge [sflag:s19], $0x2700  }
0x5a: {  	[sflag:s19] =	ssyncset.done $0x0  }
0x5b: {  	s3 =	sshrl.u32 @!p4 s10, $0x3;
	[sflag:s19] =	ssyncadd.s32 $0xFFFFD900  }
0x5c: {  	[hbm:s15], [sflag:s9] =	dma.local @!p4 [spmem:s3], $0x180  }
0x5d: {  	s3 =	simm.s32 @!p4 $0x2  }
0x5e: {  	_ =	swait.ge @!p4 [sflag:s3], $0x180  }
0x5f: {  	s28 =	sadd.s32 $0x1, s28;
	[sflag:s3] =	ssyncset.done @!p4 $0x0  }
0x60: {  	p6 =	sne.s32 s28, s17;
	[sflag:s3] =	ssyncadd.s32 @!p4 $0xFFFFFE80;
	s3 =	sshrl.u32 @p5 s5, $0x3  }
0x61: {  	[hbm:s16], [sflag:s9] =	dma.local @p5 [spmem:s3], $0x4F0  }
.Ltmp1:
0x62: {  	_ = 	snop;
	(pc) =	sbr.rel @p6 .LBB2_1-.Ltmp1, $4  }
0x63: {  	s3 =	simm.s32 @p5 $0x2  }
0x64: {  	_ =	swait.ge @p5 [sflag:s3], $0x4F0  }
0x65: {  	[sflag:s3] =	ssyncset.done @p5 $0x0  }
0x66: {  	[sflag:s3] =	ssyncadd.s32 @p5 $0xFFFFFB10  }
0x67: {  	_ =	sfence.sel $0x180000  }
0x68: {  	[bflag:$0x0] =	sbarrier.arrive $0xFFFF  }
0x69: {  	_ =	strace $0x90000047  }
0x6a: {  	[bflag:$0x2] =	sbarrier.arrive $0xFFFF  }
0x6b: {  	p0 =	sne.s32 s1, $0x0;
	s0 =	rddreg [dreg:$0x6]  }
0x6c: {  	s0 =	sadd.s32 @!p0 $0x100000, s0  }
0x6d: {  	[sflag:s0] =	ssyncadd.tile.s32 @!p0 $0x1;
	_ =	shalt  }
.Lfunc_end2:
_tile_overlayer_lowered:
.L_overlay_start_2:
0x6e: {  	(tag) =	ssettag $0x2  }
0x6f: {  	s0 =	rddreg [dreg:$0x0];
	s2 =	stileid.u32  }
0x70: {  	s1 =	rddreg [dreg:$0x1];
	p0 =	sne.s32 s2, $0x0  }
0x71: {  	s3 =	rddreg [dreg:$0x2];
	[bflag:$0x3] =	sbarrier.arrive $0xFFFF;
	s2 =	simm.s32 @!p0 $0x1C02  }
0x72: {  	[timem:s3], [sflag:s2] =	dma.local @!p0 [hbm:s0], s1  }
0x73: {  	s0 =	simm.s32 @!p0 $0x2  }
0x74: {  	_ =	swait.ge @!p0 [sflag:s0], s1  }
0x75: {  	s1 =	ssub.s32 @!p0 $0x0, s1;
	[sflag:s0] =	ssyncset.done @!p0 $0x0  }
0x76: {  	[sflag:s0] =	ssyncadd.s32 @!p0 s1  }
0x77: {  	[bflag:$0x3] =	sbarrier.arrive $0xFFFF  }
0x78: {  	_ =	shalt  }

</sc_bundles>
